<compile_context>
chip_gen: v7x
topology: tpu7x:2x2x1
jax: 0.10.2.dev20260603
libtpu: 0.0.44.dev20260713+nightly
codegen_flags: <defaults>
</compile_context>

<pallas_src>
import functools

import jax
import jax.numpy as jnp
from jax.experimental import pallas as pl
from jax.experimental.pallas import tpu as pltpu
from jax.experimental.pallas import tpu_sc as plsc

MAX_SEQ_LEN = 32
EMBED_DIM = 128
SEQ_LEN = 20


def _build():
    mesh = plsc.ScalarSubcoreMesh(axis_name="c", num_cores=1)

    @functools.partial(
        pl.kernel,
        mesh=mesh,
        out_type=jax.ShapeDtypeStruct((MAX_SEQ_LEN, EMBED_DIM), jnp.float32),
        scratch_types=[
            pltpu.SMEM((SEQ_LEN,), jnp.int32),
            pltpu.SemaphoreType.DMA,
            pltpu.SemaphoreType.DMA,
        ],
    )
    def gather_kernel(x_hbm, w_hbm, out_hbm, idx_s, sem, idx_sem):
        idx_cp = pltpu.async_copy(x_hbm, idx_s, idx_sem)
        copies = []
        for i in range(SEQ_LEN, MAX_SEQ_LEN):
            copies.append(pltpu.async_copy(w_hbm.at[0], out_hbm.at[i], sem))
        idx_cp.wait()
        for i in range(SEQ_LEN):
            copies.append(
                pltpu.async_copy(w_hbm.at[idx_s[i]], out_hbm.at[i], sem)
            )
        del copies
        pltpu.make_async_copy(w_hbm, out_hbm, sem).wait()

    return gather_kernel


_GATHER = _build()


def kernel(x, key, weight):
    del key
    return _GATHER(x, weight)

# --- scband reference (transcript-rebuilt; emitter-appended) ---
"""Pipeline reference for scband-linear-pos-embed-60129542865 (READ-ONLY COPY).

The authoritative reference and input builder live on the scoring server;
editing this copy changes nothing except your own understanding.
"""

import jax, jax.numpy as jnp
import numpy as np

MAX_SEQ_LEN = 32
EMBED_DIM = 128

def setup_inputs(seed: int = 0) -> dict:
    key = jax.random.key(seed)
    k1, k2 = jax.random.split(key)
    # position indices, length 20 (< MAX_SEQ_LEN), values in [0, 32)
    x = jax.random.randint(k1, (20,), 0, MAX_SEQ_LEN, dtype=jnp.int32)
    # dummy rng key arg (deleted inside forward)
    key_arg = jnp.zeros((2,), dtype=jnp.int32)
    # learned embedding table [MAX_SEQ_LEN, embedding_size], like equinox Embedding init
    weight = jax.random.normal(k2, (MAX_SEQ_LEN, EMBED_DIM), dtype=jnp.float32) * 0.02
    return {"x": x, "key": key_arg, "weight": weight}

def reference(x, key, weight):
    # LinearPosEmbed.__call__: pad x up to MAX_SEQ_LEN, then embedding gather
    del key
    pad_size = weight.shape[0] - x.size
    x_padded = jnp.pad(x, (0, pad_size), mode='constant')
    return jnp.take(weight, x_padded, axis=0)

if __name__ == "__main__":
    import jax
    _d = setup_inputs()
    print(jax.jit(kernel)(*tuple(_d.values())))

</pallas_src>

<mosaic_0001>
#map = affine_map<(d0) -> (0)>
#map1 = affine_map<(d0) -> (0, 0)>
module attributes {stable_mosaic.version = 14 : i64} {
  func.func @gather_kernel(%arg0: i32, %arg1: memref<20xi32, #tpu.memory_space<hbm>>, %arg2: memref<32x128xf32, #tpu.memory_space<hbm>>, %arg3: memref<32x128xf32, #tpu.memory_space<hbm>>, %arg4: memref<20xi32, #tpu.memory_space<smem>>, %arg5: memref<!tpu.dma_semaphore, #tpu.memory_space<semaphore_mem>>, %arg6: memref<!tpu.dma_semaphore, #tpu.memory_space<semaphore_mem>>) attributes {dimension_semantics = [#tpu.dimension_semantics<core_parallel>], iteration_bounds = array<i64: 1>, scalar_prefetch = 0 : i64, scratch_operands = 3 : i64, tpu.core_type = #tpu.core_type<sc_scalar_subcore>, window_params = [{transform_indices = #map}, {transform_indices = #map1}, {transform_indices = #map1}]} {
    tpu.enqueue_dma source(%arg1 : memref<20xi32, #tpu.memory_space<hbm>>) target(%arg4 : memref<20xi32, #tpu.memory_space<smem>>) target_semaphore(%arg6 : memref<!tpu.dma_semaphore, #tpu.memory_space<semaphore_mem>>)
    %dma_start3A = arith.constant 0 : i32
    %dma_start3A_0 = arith.constant 20 : i32
    %dma_start3A_1 = arith.constant 0 : i32
    %dma_start3A_2 = tpu.memref_slice %arg3[%dma_start3A_0, %dma_start3A_1] : memref<32x128xf32, #tpu.memory_space<hbm>> -> memref<1x128xf32, #tpu.memory_space<hbm>>
    %dma_start3A_3 = tpu.memref_squeeze %dma_start3A_2 : memref<1x128xf32, #tpu.memory_space<hbm>> -> memref<128xf32, #tpu.memory_space<hbm>>
    %dma_start3A_4 = arith.constant 0 : i32
    %dma_start3A_5 = tpu.memref_slice %arg2[%dma_start3A, %dma_start3A_4] : memref<32x128xf32, #tpu.memory_space<hbm>> -> memref<1x128xf32, #tpu.memory_space<hbm>>
    %dma_start3A_6 = tpu.memref_squeeze %dma_start3A_5 : memref<1x128xf32, #tpu.memory_space<hbm>> -> memref<128xf32, #tpu.memory_space<hbm>>
    tpu.enqueue_dma source(%dma_start3A_6 : memref<128xf32, #tpu.memory_space<hbm>>) target(%dma_start3A_3 : memref<128xf32, #tpu.memory_space<hbm>>) target_semaphore(%arg5 : memref<!tpu.dma_semaphore, #tpu.memory_space<semaphore_mem>>)
    %dma_start3A_7 = arith.constant 0 : i32
    %dma_start3A_8 = arith.constant 21 : i32
    %dma_start3A_9 = arith.constant 0 : i32
    %dma_start3A_10 = tpu.memref_slice %arg3[%dma_start3A_8, %dma_start3A_9] : memref<32x128xf32, #tpu.memory_space<hbm>> -> memref<1x128xf32, #tpu.memory_space<hbm>>
    %dma_start3A_11 = tpu.memref_squeeze %dma_start3A_10 : memref<1x128xf32, #tpu.memory_space<hbm>> -> memref<128xf32, #tpu.memory_space<hbm>>
    %dma_start3A_12 = arith.constant 0 : i32
    %dma_start3A_13 = tpu.memref_slice %arg2[%dma_start3A_7, %dma_start3A_12] : memref<32x128xf32, #tpu.memory_space<hbm>> -> memref<1x128xf32, #tpu.memory_space<hbm>>
    %dma_start3A_14 = tpu.memref_squeeze %dma_start3A_13 : memref<1x128xf32, #tpu.memory_space<hbm>> -> memref<128xf32, #tpu.memory_space<hbm>>
    tpu.enqueue_dma source(%dma_start3A_14 : memref<128xf32, #tpu.memory_space<hbm>>) target(%dma_start3A_11 : memref<128xf32, #tpu.memory_space<hbm>>) target_semaphore(%arg5 : memref<!tpu.dma_semaphore, #tpu.memory_space<semaphore_mem>>)
    %dma_start3A_15 = arith.constant 0 : i32
    %dma_start3A_16 = arith.constant 22 : i32
    %dma_start3A_17 = arith.constant 0 : i32
    %dma_start3A_18 = tpu.memref_slice %arg3[%dma_start3A_16, %dma_start3A_17] : memref<32x128xf32, #tpu.memory_space<hbm>> -> memref<1x128xf32, #tpu.memory_space<hbm>>
    %dma_start3A_19 = tpu.memref_squeeze %dma_start3A_18 : memref<1x128xf32, #tpu.memory_space<hbm>> -> memref<128xf32, #tpu.memory_space<hbm>>
    %dma_start3A_20 = arith.constant 0 : i32
    %dma_start3A_21 = tpu.memref_slice %arg2[%dma_start3A_15, %dma_start3A_20] : memref<32x128xf32, #tpu.memory_space<hbm>> -> memref<1x128xf32, #tpu.memory_space<hbm>>
    %dma_start3A_22 = tpu.memref_squeeze %dma_start3A_21 : memref<1x128xf32, #tpu.memory_space<hbm>> -> memref<128xf32, #tpu.memory_space<hbm>>
    tpu.enqueue_dma source(%dma_start3A_22 : memref<128xf32, #tpu.memory_space<hbm>>) target(%dma_start3A_19 : memref<128xf32, #tpu.memory_space<hbm>>) target_semaphore(%arg5 : memref<!tpu.dma_semaphore, #tpu.memory_space<semaphore_mem>>)
    %dma_start3A_23 = arith.constant 0 : i32
    %dma_start3A_24 = arith.constant 23 : i32
    %dma_start3A_25 = arith.constant 0 : i32
    %dma_start3A_26 = tpu.memref_slice %arg3[%dma_start3A_24, %dma_start3A_25] : memref<32x128xf32, #tpu.memory_space<hbm>> -> memref<1x128xf32, #tpu.memory_space<hbm>>
    %dma_start3A_27 = tpu.memref_squeeze %dma_start3A_26 : memref<1x128xf32, #tpu.memory_space<hbm>> -> memref<128xf32, #tpu.memory_space<hbm>>
    %dma_start3A_28 = arith.constant 0 : i32
    %dma_start3A_29 = tpu.memref_slice %arg2[%dma_start3A_23, %dma_start3A_28] : memref<32x128xf32, #tpu.memory_space<hbm>> -> memref<1x128xf32, #tpu.memory_space<hbm>>
    %dma_start3A_30 = tpu.memref_squeeze %dma_start3A_29 : memref<1x128xf32, #tpu.memory_space<hbm>> -> memref<128xf32, #tpu.memory_space<hbm>>
    tpu.enqueue_dma source(%dma_start3A_30 : memref<128xf32, #tpu.memory_space<hbm>>) target(%dma_start3A_27 : memref<128xf32, #tpu.memory_space<hbm>>) target_semaphore(%arg5 : memref<!tpu.dma_semaphore, #tpu.memory_space<semaphore_mem>>)
    %dma_start3A_31 = arith.constant 0 : i32
    %dma_start3A_32 = arith.constant 24 : i32
    %dma_start3A_33 = arith.constant 0 : i32
    %dma_start3A_34 = tpu.memref_slice %arg3[%dma_start3A_32, %dma_start3A_33] : memref<32x128xf32, #tpu.memory_space<hbm>> -> memref<1x128xf32, #tpu.memory_space<hbm>>
    %dma_start3A_35 = tpu.memref_squeeze %dma_start3A_34 : memref<1x128xf32, #tpu.memory_space<hbm>> -> memref<128xf32, #tpu.memory_space<hbm>>
    %dma_start3A_36 = arith.constant 0 : i32
    %dma_start3A_37 = tpu.memref_slice %arg2[%dma_start3A_31, %dma_start3A_36] : memref<32x128xf32, #tpu.memory_space<hbm>> -> memref<1x128xf32, #tpu.memory_space<hbm>>
    %dma_start3A_38 = tpu.memref_squeeze %dma_start3A_37 : memref<1x128xf32, #tpu.memory_space<hbm>> -> memref<128xf32, #tpu.memory_space<hbm>>
    tpu.enqueue_dma source(%dma_start3A_38 : memref<128xf32, #tpu.memory_space<hbm>>) target(%dma_start3A_35 : memref<128xf32, #tpu.memory_space<hbm>>) target_semaphore(%arg5 : memref<!tpu.dma_semaphore, #tpu.memory_space<semaphore_mem>>)
    %dma_start3A_39 = arith.constant 0 : i32
    %dma_start3A_40 = arith.constant 25 : i32
    %dma_start3A_41 = arith.constant 0 : i32
    %dma_start3A_42 = tpu.memref_slice %arg3[%dma_start3A_40, %dma_start3A_41] : memref<32x128xf32, #tpu.memory_space<hbm>> -> memref<1x128xf32, #tpu.memory_space<hbm>>
    %dma_start3A_43 = tpu.memref_squeeze %dma_start3A_42 : memref<1x128xf32, #tpu.memory_space<hbm>> -> memref<128xf32, #tpu.memory_space<hbm>>
    %dma_start3A_44 = arith.constant 0 : i32
    %dma_start3A_45 = tpu.memref_slice %arg2[%dma_start3A_39, %dma_start3A_44] : memref<32x128xf32, #tpu.memory_space<hbm>> -> memref<1x128xf32, #tpu.memory_space<hbm>>
    %dma_start3A_46 = tpu.memref_squeeze %dma_start3A_45 : memref<1x128xf32, #tpu.memory_space<hbm>> -> memref<128xf32, #tpu.memory_space<hbm>>
    tpu.enqueue_dma source(%dma_start3A_46 : memref<128xf32, #tpu.memory_space<hbm>>) target(%dma_start3A_43 : memref<128xf32, #tpu.memory_space<hbm>>) target_semaphore(%arg5 : memref<!tpu.dma_semaphore, #tpu.memory_space<semaphore_mem>>)
    %dma_start3A_47 = arith.constant 0 : i32
    %dma_start3A_48 = arith.constant 26 : i32
    %dma_start3A_49 = arith.constant 0 : i32
    %dma_start3A_50 = tpu.memref_slice %arg3[%dma_start3A_48, %dma_start3A_49] : memref<32x128xf32, #tpu.memory_space<hbm>> -> memref<1x128xf32, #tpu.memory_space<hbm>>
    %dma_start3A_51 = tpu.memref_squeeze %dma_start3A_50 : memref<1x128xf32, #tpu.memory_space<hbm>> -> memref<128xf32, #tpu.memory_space<hbm>>
    %dma_start3A_52 = arith.constant 0 : i32
    %dma_start3A_53 = tpu.memref_slice %arg2[%dma_start3A_47, %dma_start3A_52] : memref<32x128xf32, #tpu.memory_space<hbm>> -> memref<1x128xf32, #tpu.memory_space<hbm>>
    %dma_start3A_54 = tpu.memref_squeeze %dma_start3A_53 : memref<1x128xf32, #tpu.memory_space<hbm>> -> memref<128xf32, #tpu.memory_space<hbm>>
    tpu.enqueue_dma source(%dma_start3A_54 : memref<128xf32, #tpu.memory_space<hbm>>) target(%dma_start3A_51 : memref<128xf32, #tpu.memory_space<hbm>>) target_semaphore(%arg5 : memref<!tpu.dma_semaphore, #tpu.memory_space<semaphore_mem>>)
    %dma_start3A_55 = arith.constant 0 : i32
    %dma_start3A_56 = arith.constant 27 : i32
    %dma_start3A_57 = arith.constant 0 : i32
    %dma_start3A_58 = tpu.memref_slice %arg3[%dma_start3A_56, %dma_start3A_57] : memref<32x128xf32, #tpu.memory_space<hbm>> -> memref<1x128xf32, #tpu.memory_space<hbm>>
    %dma_start3A_59 = tpu.memref_squeeze %dma_start3A_58 : memref<1x128xf32, #tpu.memory_space<hbm>> -> memref<128xf32, #tpu.memory_space<hbm>>
    %dma_start3A_60 = arith.constant 0 : i32
    %dma_start3A_61 = tpu.memref_slice %arg2[%dma_start3A_55, %dma_start3A_60] : memref<32x128xf32, #tpu.memory_space<hbm>> -> memref<1x128xf32, #tpu.memory_space<hbm>>
    %dma_start3A_62 = tpu.memref_squeeze %dma_start3A_61 : memref<1x128xf32, #tpu.memory_space<hbm>> -> memref<128xf32, #tpu.memory_space<hbm>>
    tpu.enqueue_dma source(%dma_start3A_62 : memref<128xf32, #tpu.memory_space<hbm>>) target(%dma_start3A_59 : memref<128xf32, #tpu.memory_space<hbm>>) target_semaphore(%arg5 : memref<!tpu.dma_semaphore, #tpu.memory_space<semaphore_mem>>)
    %dma_start3A_63 = arith.constant 0 : i32
    %dma_start3A_64 = arith.constant 28 : i32
    %dma_start3A_65 = arith.constant 0 : i32
    %dma_start3A_66 = tpu.memref_slice %arg3[%dma_start3A_64, %dma_start3A_65] : memref<32x128xf32, #tpu.memory_space<hbm>> -> memref<1x128xf32, #tpu.memory_space<hbm>>
    %dma_start3A_67 = tpu.memref_squeeze %dma_start3A_66 : memref<1x128xf32, #tpu.memory_space<hbm>> -> memref<128xf32, #tpu.memory_space<hbm>>
    %dma_start3A_68 = arith.constant 0 : i32
    %dma_start3A_69 = tpu.memref_slice %arg2[%dma_start3A_63, %dma_start3A_68] : memref<32x128xf32, #tpu.memory_space<hbm>> -> memref<1x128xf32, #tpu.memory_space<hbm>>
    %dma_start3A_70 = tpu.memref_squeeze %dma_start3A_69 : memref<1x128xf32, #tpu.memory_space<hbm>> -> memref<128xf32, #tpu.memory_space<hbm>>
    tpu.enqueue_dma source(%dma_start3A_70 : memref<128xf32, #tpu.memory_space<hbm>>) target(%dma_start3A_67 : memref<128xf32, #tpu.memory_space<hbm>>) target_semaphore(%arg5 : memref<!tpu.dma_semaphore, #tpu.memory_space<semaphore_mem>>)
    %dma_start3A_71 = arith.constant 0 : i32
    %dma_start3A_72 = arith.constant 29 : i32
    %dma_start3A_73 = arith.constant 0 : i32
    %dma_start3A_74 = tpu.memref_slice %arg3[%dma_start3A_72, %dma_start3A_73] : memref<32x128xf32, #tpu.memory_space<hbm>> -> memref<1x128xf32, #tpu.memory_space<hbm>>
    %dma_start3A_75 = tpu.memref_squeeze %dma_start3A_74 : memref<1x128xf32, #tpu.memory_space<hbm>> -> memref<128xf32, #tpu.memory_space<hbm>>
    %dma_start3A_76 = arith.constant 0 : i32
    %dma_start3A_77 = tpu.memref_slice %arg2[%dma_start3A_71, %dma_start3A_76] : memref<32x128xf32, #tpu.memory_space<hbm>> -> memref<1x128xf32, #tpu.memory_space<hbm>>
    %dma_start3A_78 = tpu.memref_squeeze %dma_start3A_77 : memref<1x128xf32, #tpu.memory_space<hbm>> -> memref<128xf32, #tpu.memory_space<hbm>>
    tpu.enqueue_dma source(%dma_start3A_78 : memref<128xf32, #tpu.memory_space<hbm>>) target(%dma_start3A_75 : memref<128xf32, #tpu.memory_space<hbm>>) target_semaphore(%arg5 : memref<!tpu.dma_semaphore, #tpu.memory_space<semaphore_mem>>)
    %dma_start3A_79 = arith.constant 0 : i32
    %dma_start3A_80 = arith.constant 30 : i32
    %dma_start3A_81 = arith.constant 0 : i32
    %dma_start3A_82 = tpu.memref_slice %arg3[%dma_start3A_80, %dma_start3A_81] : memref<32x128xf32, #tpu.memory_space<hbm>> -> memref<1x128xf32, #tpu.memory_space<hbm>>
    %dma_start3A_83 = tpu.memref_squeeze %dma_start3A_82 : memref<1x128xf32, #tpu.memory_space<hbm>> -> memref<128xf32, #tpu.memory_space<hbm>>
    %dma_start3A_84 = arith.constant 0 : i32
    %dma_start3A_85 = tpu.memref_slice %arg2[%dma_start3A_79, %dma_start3A_84] : memref<32x128xf32, #tpu.memory_space<hbm>> -> memref<1x128xf32, #tpu.memory_space<hbm>>
    %dma_start3A_86 = tpu.memref_squeeze %dma_start3A_85 : memref<1x128xf32, #tpu.memory_space<hbm>> -> memref<128xf32, #tpu.memory_space<hbm>>
    tpu.enqueue_dma source(%dma_start3A_86 : memref<128xf32, #tpu.memory_space<hbm>>) target(%dma_start3A_83 : memref<128xf32, #tpu.memory_space<hbm>>) target_semaphore(%arg5 : memref<!tpu.dma_semaphore, #tpu.memory_space<semaphore_mem>>)
    %dma_start3A_87 = arith.constant 0 : i32
    %dma_start3A_88 = arith.constant 31 : i32
    %dma_start3A_89 = arith.constant 0 : i32
    %dma_start3A_90 = tpu.memref_slice %arg3[%dma_start3A_88, %dma_start3A_89] : memref<32x128xf32, #tpu.memory_space<hbm>> -> memref<1x128xf32, #tpu.memory_space<hbm>>
    %dma_start3A_91 = tpu.memref_squeeze %dma_start3A_90 : memref<1x128xf32, #tpu.memory_space<hbm>> -> memref<128xf32, #tpu.memory_space<hbm>>
    %dma_start3A_92 = arith.constant 0 : i32
    %dma_start3A_93 = tpu.memref_slice %arg2[%dma_start3A_87, %dma_start3A_92] : memref<32x128xf32, #tpu.memory_space<hbm>> -> memref<1x128xf32, #tpu.memory_space<hbm>>
    %dma_start3A_94 = tpu.memref_squeeze %dma_start3A_93 : memref<1x128xf32, #tpu.memory_space<hbm>> -> memref<128xf32, #tpu.memory_space<hbm>>
    tpu.enqueue_dma source(%dma_start3A_94 : memref<128xf32, #tpu.memory_space<hbm>>) target(%dma_start3A_91 : memref<128xf32, #tpu.memory_space<hbm>>) target_semaphore(%arg5 : memref<!tpu.dma_semaphore, #tpu.memory_space<semaphore_mem>>)
    tpu.wait_dma2 semaphore(%arg6 : memref<!tpu.dma_semaphore, #tpu.memory_space<semaphore_mem>>) src(%arg1 : memref<20xi32, #tpu.memory_space<hbm>>) dst(%arg4 : memref<20xi32, #tpu.memory_space<smem>>)
    %get3A = arith.constant 0 : i32
    %get3A_95 = arith.index_cast %get3A : i32 to index
    %get3A_96 = memref.load %arg4[%get3A_95] : memref<20xi32, #tpu.memory_space<smem>>
    %dma_start3A_97 = arith.constant 0 : i32
    %dma_start3A_98 = arith.constant 0 : i32
    %dma_start3A_99 = tpu.memref_slice %arg3[%dma_start3A_97, %dma_start3A_98] : memref<32x128xf32, #tpu.memory_space<hbm>> -> memref<1x128xf32, #tpu.memory_space<hbm>>
    %dma_start3A_100 = tpu.memref_squeeze %dma_start3A_99 : memref<1x128xf32, #tpu.memory_space<hbm>> -> memref<128xf32, #tpu.memory_space<hbm>>
    %dma_start3A_101 = arith.constant 0 : i32
    %dma_start3A_102 = tpu.memref_slice %arg2[%get3A_96, %dma_start3A_101] : memref<32x128xf32, #tpu.memory_space<hbm>> -> memref<1x128xf32, #tpu.memory_space<hbm>>
    %dma_start3A_103 = tpu.memref_squeeze %dma_start3A_102 : memref<1x128xf32, #tpu.memory_space<hbm>> -> memref<128xf32, #tpu.memory_space<hbm>>
    tpu.enqueue_dma source(%dma_start3A_103 : memref<128xf32, #tpu.memory_space<hbm>>) target(%dma_start3A_100 : memref<128xf32, #tpu.memory_space<hbm>>) target_semaphore(%arg5 : memref<!tpu.dma_semaphore, #tpu.memory_space<semaphore_mem>>)
    %get3A_104 = arith.constant 1 : i32
    %get3A_105 = arith.index_cast %get3A_104 : i32 to index
    %get3A_106 = memref.load %arg4[%get3A_105] : memref<20xi32, #tpu.memory_space<smem>>
    %dma_start3A_107 = arith.constant 1 : i32
    %dma_start3A_108 = arith.constant 0 : i32
    %dma_start3A_109 = tpu.memref_slice %arg3[%dma_start3A_107, %dma_start3A_108] : memref<32x128xf32, #tpu.memory_space<hbm>> -> memref<1x128xf32, #tpu.memory_space<hbm>>
    %dma_start3A_110 = tpu.memref_squeeze %dma_start3A_109 : memref<1x128xf32, #tpu.memory_space<hbm>> -> memref<128xf32, #tpu.memory_space<hbm>>
    %dma_start3A_111 = arith.constant 0 : i32
    %dma_start3A_112 = tpu.memref_slice %arg2[%get3A_106, %dma_start3A_111] : memref<32x128xf32, #tpu.memory_space<hbm>> -> memref<1x128xf32, #tpu.memory_space<hbm>>
    %dma_start3A_113 = tpu.memref_squeeze %dma_start3A_112 : memref<1x128xf32, #tpu.memory_space<hbm>> -> memref<128xf32, #tpu.memory_space<hbm>>
    tpu.enqueue_dma source(%dma_start3A_113 : memref<128xf32, #tpu.memory_space<hbm>>) target(%dma_start3A_110 : memref<128xf32, #tpu.memory_space<hbm>>) target_semaphore(%arg5 : memref<!tpu.dma_semaphore, #tpu.memory_space<semaphore_mem>>)
    %get3A_114 = arith.constant 2 : i32
    %get3A_115 = arith.index_cast %get3A_114 : i32 to index
    %get3A_116 = memref.load %arg4[%get3A_115] : memref<20xi32, #tpu.memory_space<smem>>
    %dma_start3A_117 = arith.constant 2 : i32
    %dma_start3A_118 = arith.constant 0 : i32
    %dma_start3A_119 = tpu.memref_slice %arg3[%dma_start3A_117, %dma_start3A_118] : memref<32x128xf32, #tpu.memory_space<hbm>> -> memref<1x128xf32, #tpu.memory_space<hbm>>
    %dma_start3A_120 = tpu.memref_squeeze %dma_start3A_119 : memref<1x128xf32, #tpu.memory_space<hbm>> -> memref<128xf32, #tpu.memory_space<hbm>>
    %dma_start3A_121 = arith.constant 0 : i32
    %dma_start3A_122 = tpu.memref_slice %arg2[%get3A_116, %dma_start3A_121] : memref<32x128xf32, #tpu.memory_space<hbm>> -> memref<1x128xf32, #tpu.memory_space<hbm>>
    %dma_start3A_123 = tpu.memref_squeeze %dma_start3A_122 : memref<1x128xf32, #tpu.memory_space<hbm>> -> memref<128xf32, #tpu.memory_space<hbm>>
    tpu.enqueue_dma source(%dma_start3A_123 : memref<128xf32, #tpu.memory_space<hbm>>) target(%dma_start3A_120 : memref<128xf32, #tpu.memory_space<hbm>>) target_semaphore(%arg5 : memref<!tpu.dma_semaphore, #tpu.memory_space<semaphore_mem>>)
    %get3A_124 = arith.constant 3 : i32
    %get3A_125 = arith.index_cast %get3A_124 : i32 to index
    %get3A_126 = memref.load %arg4[%get3A_125] : memref<20xi32, #tpu.memory_space<smem>>
    %dma_start3A_127 = arith.constant 3 : i32
    %dma_start3A_128 = arith.constant 0 : i32
    %dma_start3A_129 = tpu.memref_slice %arg3[%dma_start3A_127, %dma_start3A_128] : memref<32x128xf32, #tpu.memory_space<hbm>> -> memref<1x128xf32, #tpu.memory_space<hbm>>
    %dma_start3A_130 = tpu.memref_squeeze %dma_start3A_129 : memref<1x128xf32, #tpu.memory_space<hbm>> -> memref<128xf32, #tpu.memory_space<hbm>>
    %dma_start3A_131 = arith.constant 0 : i32
    %dma_start3A_132 = tpu.memref_slice %arg2[%get3A_126, %dma_start3A_131] : memref<32x128xf32, #tpu.memory_space<hbm>> -> memref<1x128xf32, #tpu.memory_space<hbm>>
    %dma_start3A_133 = tpu.memref_squeeze %dma_start3A_132 : memref<1x128xf32, #tpu.memory_space<hbm>> -> memref<128xf32, #tpu.memory_space<hbm>>
    tpu.enqueue_dma source(%dma_start3A_133 : memref<128xf32, #tpu.memory_space<hbm>>) target(%dma_start3A_130 : memref<128xf32, #tpu.memory_space<hbm>>) target_semaphore(%arg5 : memref<!tpu.dma_semaphore, #tpu.memory_space<semaphore_mem>>)
    %get3A_134 = arith.constant 4 : i32
    %get3A_135 = arith.index_cast %get3A_134 : i32 to index
    %get3A_136 = memref.load %arg4[%get3A_135] : memref<20xi32, #tpu.memory_space<smem>>
    %dma_start3A_137 = arith.constant 4 : i32
    %dma_start3A_138 = arith.constant 0 : i32
    %dma_start3A_139 = tpu.memref_slice %arg3[%dma_start3A_137, %dma_start3A_138] : memref<32x128xf32, #tpu.memory_space<hbm>> -> memref<1x128xf32, #tpu.memory_space<hbm>>
    %dma_start3A_140 = tpu.memref_squeeze %dma_start3A_139 : memref<1x128xf32, #tpu.memory_space<hbm>> -> memref<128xf32, #tpu.memory_space<hbm>>
    %dma_start3A_141 = arith.constant 0 : i32
    %dma_start3A_142 = tpu.memref_slice %arg2[%get3A_136, %dma_start3A_141] : memref<32x128xf32, #tpu.memory_space<hbm>> -> memref<1x128xf32, #tpu.memory_space<hbm>>
    %dma_start3A_143 = tpu.memref_squeeze %dma_start3A_142 : memref<1x128xf32, #tpu.memory_space<hbm>> -> memref<128xf32, #tpu.memory_space<hbm>>
    tpu.enqueue_dma source(%dma_start3A_143 : memref<128xf32, #tpu.memory_space<hbm>>) target(%dma_start3A_140 : memref<128xf32, #tpu.memory_space<hbm>>) target_semaphore(%arg5 : memref<!tpu.dma_semaphore, #tpu.memory_space<semaphore_mem>>)
    %get3A_144 = arith.constant 5 : i32
    %get3A_145 = arith.index_cast %get3A_144 : i32 to index
    %get3A_146 = memref.load %arg4[%get3A_145] : memref<20xi32, #tpu.memory_space<smem>>
    %dma_start3A_147 = arith.constant 5 : i32
    %dma_start3A_148 = arith.constant 0 : i32
    %dma_start3A_149 = tpu.memref_slice %arg3[%dma_start3A_147, %dma_start3A_148] : memref<32x128xf32, #tpu.memory_space<hbm>> -> memref<1x128xf32, #tpu.memory_space<hbm>>
    %dma_start3A_150 = tpu.memref_squeeze %dma_start3A_149 : memref<1x128xf32, #tpu.memory_space<hbm>> -> memref<128xf32, #tpu.memory_space<hbm>>
    %dma_start3A_151 = arith.constant 0 : i32
    %dma_start3A_152 = tpu.memref_slice %arg2[%get3A_146, %dma_start3A_151] : memref<32x128xf32, #tpu.memory_space<hbm>> -> memref<1x128xf32, #tpu.memory_space<hbm>>
    %dma_start3A_153 = tpu.memref_squeeze %dma_start3A_152 : memref<1x128xf32, #tpu.memory_space<hbm>> -> memref<128xf32, #tpu.memory_space<hbm>>
    tpu.enqueue_dma source(%dma_start3A_153 : memref<128xf32, #tpu.memory_space<hbm>>) target(%dma_start3A_150 : memref<128xf32, #tpu.memory_space<hbm>>) target_semaphore(%arg5 : memref<!tpu.dma_semaphore, #tpu.memory_space<semaphore_mem>>)
    %get3A_154 = arith.constant 6 : i32
    %get3A_155 = arith.index_cast %get3A_154 : i32 to index
    %get3A_156 = memref.load %arg4[%get3A_155] : memref<20xi32, #tpu.memory_space<smem>>
    %dma_start3A_157 = arith.constant 6 : i32
    %dma_start3A_158 = arith.constant 0 : i32
    %dma_start3A_159 = tpu.memref_slice %arg3[%dma_start3A_157, %dma_start3A_158] : memref<32x128xf32, #tpu.memory_space<hbm>> -> memref<1x128xf32, #tpu.memory_space<hbm>>
    %dma_start3A_160 = tpu.memref_squeeze %dma_start3A_159 : memref<1x128xf32, #tpu.memory_space<hbm>> -> memref<128xf32, #tpu.memory_space<hbm>>
    %dma_start3A_161 = arith.constant 0 : i32
    %dma_start3A_162 = tpu.memref_slice %arg2[%get3A_156, %dma_start3A_161] : memref<32x128xf32, #tpu.memory_space<hbm>> -> memref<1x128xf32, #tpu.memory_space<hbm>>
    %dma_start3A_163 = tpu.memref_squeeze %dma_start3A_162 : memref<1x128xf32, #tpu.memory_space<hbm>> -> memref<128xf32, #tpu.memory_space<hbm>>
    tpu.enqueue_dma source(%dma_start3A_163 : memref<128xf32, #tpu.memory_space<hbm>>) target(%dma_start3A_160 : memref<128xf32, #tpu.memory_space<hbm>>) target_semaphore(%arg5 : memref<!tpu.dma_semaphore, #tpu.memory_space<semaphore_mem>>)
    %get3A_164 = arith.constant 7 : i32
    %get3A_165 = arith.index_cast %get3A_164 : i32 to index
    %get3A_166 = memref.load %arg4[%get3A_165] : memref<20xi32, #tpu.memory_space<smem>>
    %dma_start3A_167 = arith.constant 7 : i32
    %dma_start3A_168 = arith.constant 0 : i32
    %dma_start3A_169 = tpu.memref_slice %arg3[%dma_start3A_167, %dma_start3A_168] : memref<32x128xf32, #tpu.memory_space<hbm>> -> memref<1x128xf32, #tpu.memory_space<hbm>>
    %dma_start3A_170 = tpu.memref_squeeze %dma_start3A_169 : memref<1x128xf32, #tpu.memory_space<hbm>> -> memref<128xf32, #tpu.memory_space<hbm>>
    %dma_start3A_171 = arith.constant 0 : i32
    %dma_start3A_172 = tpu.memref_slice %arg2[%get3A_166, %dma_start3A_171] : memref<32x128xf32, #tpu.memory_space<hbm>> -> memref<1x128xf32, #tpu.memory_space<hbm>>
    %dma_start3A_173 = tpu.memref_squeeze %dma_start3A_172 : memref<1x128xf32, #tpu.memory_space<hbm>> -> memref<128xf32, #tpu.memory_space<hbm>>
    tpu.enqueue_dma source(%dma_start3A_173 : memref<128xf32, #tpu.memory_space<hbm>>) target(%dma_start3A_170 : memref<128xf32, #tpu.memory_space<hbm>>) target_semaphore(%arg5 : memref<!tpu.dma_semaphore, #tpu.memory_space<semaphore_mem>>)
    %get3A_174 = arith.constant 8 : i32
    %get3A_175 = arith.index_cast %get3A_174 : i32 to index
    %get3A_176 = memref.load %arg4[%get3A_175] : memref<20xi32, #tpu.memory_space<smem>>
    %dma_start3A_177 = arith.constant 8 : i32
    %dma_start3A_178 = arith.constant 0 : i32
    %dma_start3A_179 = tpu.memref_slice %arg3[%dma_start3A_177, %dma_start3A_178] : memref<32x128xf32, #tpu.memory_space<hbm>> -> memref<1x128xf32, #tpu.memory_space<hbm>>
    %dma_start3A_180 = tpu.memref_squeeze %dma_start3A_179 : memref<1x128xf32, #tpu.memory_space<hbm>> -> memref<128xf32, #tpu.memory_space<hbm>>
    %dma_start3A_181 = arith.constant 0 : i32
    %dma_start3A_182 = tpu.memref_slice %arg2[%get3A_176, %dma_start3A_181] : memref<32x128xf32, #tpu.memory_space<hbm>> -> memref<1x128xf32, #tpu.memory_space<hbm>>
    %dma_start3A_183 = tpu.memref_squeeze %dma_start3A_182 : memref<1x128xf32, #tpu.memory_space<hbm>> -> memref<128xf32, #tpu.memory_space<hbm>>
    tpu.enqueue_dma source(%dma_start3A_183 : memref<128xf32, #tpu.memory_space<hbm>>) target(%dma_start3A_180 : memref<128xf32, #tpu.memory_space<hbm>>) target_semaphore(%arg5 : memref<!tpu.dma_semaphore, #tpu.memory_space<semaphore_mem>>)
    %get3A_184 = arith.constant 9 : i32
    %get3A_185 = arith.index_cast %get3A_184 : i32 to index
    %get3A_186 = memref.load %arg4[%get3A_185] : memref<20xi32, #tpu.memory_space<smem>>
    %dma_start3A_187 = arith.constant 9 : i32
    %dma_start3A_188 = arith.constant 0 : i32
    %dma_start3A_189 = tpu.memref_slice %arg3[%dma_start3A_187, %dma_start3A_188] : memref<32x128xf32, #tpu.memory_space<hbm>> -> memref<1x128xf32, #tpu.memory_space<hbm>>
    %dma_start3A_190 = tpu.memref_squeeze %dma_start3A_189 : memref<1x128xf32, #tpu.memory_space<hbm>> -> memref<128xf32, #tpu.memory_space<hbm>>
    %dma_start3A_191 = arith.constant 0 : i32
    %dma_start3A_192 = tpu.memref_slice %arg2[%get3A_186, %dma_start3A_191] : memref<32x128xf32, #tpu.memory_space<hbm>> -> memref<1x128xf32, #tpu.memory_space<hbm>>
    %dma_start3A_193 = tpu.memref_squeeze %dma_start3A_192 : memref<1x128xf32, #tpu.memory_space<hbm>> -> memref<128xf32, #tpu.memory_space<hbm>>
    tpu.enqueue_dma source(%dma_start3A_193 : memref<128xf32, #tpu.memory_space<hbm>>) target(%dma_start3A_190 : memref<128xf32, #tpu.memory_space<hbm>>) target_semaphore(%arg5 : memref<!tpu.dma_semaphore, #tpu.memory_space<semaphore_mem>>)
    %get3A_194 = arith.constant 10 : i32
    %get3A_195 = arith.index_cast %get3A_194 : i32 to index
    %get3A_196 = memref.load %arg4[%get3A_195] : memref<20xi32, #tpu.memory_space<smem>>
    %dma_start3A_197 = arith.constant 10 : i32
    %dma_start3A_198 = arith.constant 0 : i32
    %dma_start3A_199 = tpu.memref_slice %arg3[%dma_start3A_197, %dma_start3A_198] : memref<32x128xf32, #tpu.memory_space<hbm>> -> memref<1x128xf32, #tpu.memory_space<hbm>>
    %dma_start3A_200 = tpu.memref_squeeze %dma_start3A_199 : memref<1x128xf32, #tpu.memory_space<hbm>> -> memref<128xf32, #tpu.memory_space<hbm>>
    %dma_start3A_201 = arith.constant 0 : i32
    %dma_start3A_202 = tpu.memref_slice %arg2[%get3A_196, %dma_start3A_201] : memref<32x128xf32, #tpu.memory_space<hbm>> -> memref<1x128xf32, #tpu.memory_space<hbm>>
    %dma_start3A_203 = tpu.memref_squeeze %dma_start3A_202 : memref<1x128xf32, #tpu.memory_space<hbm>> -> memref<128xf32, #tpu.memory_space<hbm>>
    tpu.enqueue_dma source(%dma_start3A_203 : memref<128xf32, #tpu.memory_space<hbm>>) target(%dma_start3A_200 : memref<128xf32, #tpu.memory_space<hbm>>) target_semaphore(%arg5 : memref<!tpu.dma_semaphore, #tpu.memory_space<semaphore_mem>>)
    %get3A_204 = arith.constant 11 : i32
    %get3A_205 = arith.index_cast %get3A_204 : i32 to index
    %get3A_206 = memref.load %arg4[%get3A_205] : memref<20xi32, #tpu.memory_space<smem>>
    %dma_start3A_207 = arith.constant 11 : i32
    %dma_start3A_208 = arith.constant 0 : i32
    %dma_start3A_209 = tpu.memref_slice %arg3[%dma_start3A_207, %dma_start3A_208] : memref<32x128xf32, #tpu.memory_space<hbm>> -> memref<1x128xf32, #tpu.memory_space<hbm>>
    %dma_start3A_210 = tpu.memref_squeeze %dma_start3A_209 : memref<1x128xf32, #tpu.memory_space<hbm>> -> memref<128xf32, #tpu.memory_space<hbm>>
    %dma_start3A_211 = arith.constant 0 : i32
    %dma_start3A_212 = tpu.memref_slice %arg2[%get3A_206, %dma_start3A_211] : memref<32x128xf32, #tpu.memory_space<hbm>> -> memref<1x128xf32, #tpu.memory_space<hbm>>
    %dma_start3A_213 = tpu.memref_squeeze %dma_start3A_212 : memref<1x128xf32, #tpu.memory_space<hbm>> -> memref<128xf32, #tpu.memory_space<hbm>>
    tpu.enqueue_dma source(%dma_start3A_213 : memref<128xf32, #tpu.memory_space<hbm>>) target(%dma_start3A_210 : memref<128xf32, #tpu.memory_space<hbm>>) target_semaphore(%arg5 : memref<!tpu.dma_semaphore, #tpu.memory_space<semaphore_mem>>)
    %get3A_214 = arith.constant 12 : i32
    %get3A_215 = arith.index_cast %get3A_214 : i32 to index
    %get3A_216 = memref.load %arg4[%get3A_215] : memref<20xi32, #tpu.memory_space<smem>>
    %dma_start3A_217 = arith.constant 12 : i32
    %dma_start3A_218 = arith.constant 0 : i32
    %dma_start3A_219 = tpu.memref_slice %arg3[%dma_start3A_217, %dma_start3A_218] : memref<32x128xf32, #tpu.memory_space<hbm>> -> memref<1x128xf32, #tpu.memory_space<hbm>>
    %dma_start3A_220 = tpu.memref_squeeze %dma_start3A_219 : memref<1x128xf32, #tpu.memory_space<hbm>> -> memref<128xf32, #tpu.memory_space<hbm>>
    %dma_start3A_221 = arith.constant 0 : i32
    %dma_start3A_222 = tpu.memref_slice %arg2[%get3A_216, %dma_start3A_221] : memref<32x128xf32, #tpu.memory_space<hbm>> -> memref<1x128xf32, #tpu.memory_space<hbm>>
    %dma_start3A_223 = tpu.memref_squeeze %dma_start3A_222 : memref<1x128xf32, #tpu.memory_space<hbm>> -> memref<128xf32, #tpu.memory_space<hbm>>
    tpu.enqueue_dma source(%dma_start3A_223 : memref<128xf32, #tpu.memory_space<hbm>>) target(%dma_start3A_220 : memref<128xf32, #tpu.memory_space<hbm>>) target_semaphore(%arg5 : memref<!tpu.dma_semaphore, #tpu.memory_space<semaphore_mem>>)
    %get3A_224 = arith.constant 13 : i32
    %get3A_225 = arith.index_cast %get3A_224 : i32 to index
    %get3A_226 = memref.load %arg4[%get3A_225] : memref<20xi32, #tpu.memory_space<smem>>
    %dma_start3A_227 = arith.constant 13 : i32
    %dma_start3A_228 = arith.constant 0 : i32
    %dma_start3A_229 = tpu.memref_slice %arg3[%dma_start3A_227, %dma_start3A_228] : memref<32x128xf32, #tpu.memory_space<hbm>> -> memref<1x128xf32, #tpu.memory_space<hbm>>
    %dma_start3A_230 = tpu.memref_squeeze %dma_start3A_229 : memref<1x128xf32, #tpu.memory_space<hbm>> -> memref<128xf32, #tpu.memory_space<hbm>>
    %dma_start3A_231 = arith.constant 0 : i32
    %dma_start3A_232 = tpu.memref_slice %arg2[%get3A_226, %dma_start3A_231] : memref<32x128xf32, #tpu.memory_space<hbm>> -> memref<1x128xf32, #tpu.memory_space<hbm>>
    %dma_start3A_233 = tpu.memref_squeeze %dma_start3A_232 : memref<1x128xf32, #tpu.memory_space<hbm>> -> memref<128xf32, #tpu.memory_space<hbm>>
    tpu.enqueue_dma source(%dma_start3A_233 : memref<128xf32, #tpu.memory_space<hbm>>) target(%dma_start3A_230 : memref<128xf32, #tpu.memory_space<hbm>>) target_semaphore(%arg5 : memref<!tpu.dma_semaphore, #tpu.memory_space<semaphore_mem>>)
    %get3A_234 = arith.constant 14 : i32
    %get3A_235 = arith.index_cast %get3A_234 : i32 to index
    %get3A_236 = memref.load %arg4[%get3A_235] : memref<20xi32, #tpu.memory_space<smem>>
    %dma_start3A_237 = arith.constant 14 : i32
    %dma_start3A_238 = arith.constant 0 : i32
    %dma_start3A_239 = tpu.memref_slice %arg3[%dma_start3A_237, %dma_start3A_238] : memref<32x128xf32, #tpu.memory_space<hbm>> -> memref<1x128xf32, #tpu.memory_space<hbm>>
    %dma_start3A_240 = tpu.memref_squeeze %dma_start3A_239 : memref<1x128xf32, #tpu.memory_space<hbm>> -> memref<128xf32, #tpu.memory_space<hbm>>
    %dma_start3A_241 = arith.constant 0 : i32
    %dma_start3A_242 = tpu.memref_slice %arg2[%get3A_236, %dma_start3A_241] : memref<32x128xf32, #tpu.memory_space<hbm>> -> memref<1x128xf32, #tpu.memory_space<hbm>>
    %dma_start3A_243 = tpu.memref_squeeze %dma_start3A_242 : memref<1x128xf32, #tpu.memory_space<hbm>> -> memref<128xf32, #tpu.memory_space<hbm>>
    tpu.enqueue_dma source(%dma_start3A_243 : memref<128xf32, #tpu.memory_space<hbm>>) target(%dma_start3A_240 : memref<128xf32, #tpu.memory_space<hbm>>) target_semaphore(%arg5 : memref<!tpu.dma_semaphore, #tpu.memory_space<semaphore_mem>>)
    %get3A_244 = arith.constant 15 : i32
    %get3A_245 = arith.index_cast %get3A_244 : i32 to index
    %get3A_246 = memref.load %arg4[%get3A_245] : memref<20xi32, #tpu.memory_space<smem>>
    %dma_start3A_247 = arith.constant 15 : i32
    %dma_start3A_248 = arith.constant 0 : i32
    %dma_start3A_249 = tpu.memref_slice %arg3[%dma_start3A_247, %dma_start3A_248] : memref<32x128xf32, #tpu.memory_space<hbm>> -> memref<1x128xf32, #tpu.memory_space<hbm>>
    %dma_start3A_250 = tpu.memref_squeeze %dma_start3A_249 : memref<1x128xf32, #tpu.memory_space<hbm>> -> memref<128xf32, #tpu.memory_space<hbm>>
    %dma_start3A_251 = arith.constant 0 : i32
    %dma_start3A_252 = tpu.memref_slice %arg2[%get3A_246, %dma_start3A_251] : memref<32x128xf32, #tpu.memory_space<hbm>> -> memref<1x128xf32, #tpu.memory_space<hbm>>
    %dma_start3A_253 = tpu.memref_squeeze %dma_start3A_252 : memref<1x128xf32, #tpu.memory_space<hbm>> -> memref<128xf32, #tpu.memory_space<hbm>>
    tpu.enqueue_dma source(%dma_start3A_253 : memref<128xf32, #tpu.memory_space<hbm>>) target(%dma_start3A_250 : memref<128xf32, #tpu.memory_space<hbm>>) target_semaphore(%arg5 : memref<!tpu.dma_semaphore, #tpu.memory_space<semaphore_mem>>)
    %get3A_254 = arith.constant 16 : i32
    %get3A_255 = arith.index_cast %get3A_254 : i32 to index
    %get3A_256 = memref.load %arg4[%get3A_255] : memref<20xi32, #tpu.memory_space<smem>>
    %dma_start3A_257 = arith.constant 16 : i32
    %dma_start3A_258 = arith.constant 0 : i32
    %dma_start3A_259 = tpu.memref_slice %arg3[%dma_start3A_257, %dma_start3A_258] : memref<32x128xf32, #tpu.memory_space<hbm>> -> memref<1x128xf32, #tpu.memory_space<hbm>>
    %dma_start3A_260 = tpu.memref_squeeze %dma_start3A_259 : memref<1x128xf32, #tpu.memory_space<hbm>> -> memref<128xf32, #tpu.memory_space<hbm>>
    %dma_start3A_261 = arith.constant 0 : i32
    %dma_start3A_262 = tpu.memref_slice %arg2[%get3A_256, %dma_start3A_261] : memref<32x128xf32, #tpu.memory_space<hbm>> -> memref<1x128xf32, #tpu.memory_space<hbm>>
    %dma_start3A_263 = tpu.memref_squeeze %dma_start3A_262 : memref<1x128xf32, #tpu.memory_space<hbm>> -> memref<128xf32, #tpu.memory_space<hbm>>
    tpu.enqueue_dma source(%dma_start3A_263 : memref<128xf32, #tpu.memory_space<hbm>>) target(%dma_start3A_260 : memref<128xf32, #tpu.memory_space<hbm>>) target_semaphore(%arg5 : memref<!tpu.dma_semaphore, #tpu.memory_space<semaphore_mem>>)
    %get3A_264 = arith.constant 17 : i32
    %get3A_265 = arith.index_cast %get3A_264 : i32 to index
    %get3A_266 = memref.load %arg4[%get3A_265] : memref<20xi32, #tpu.memory_space<smem>>
    %dma_start3A_267 = arith.constant 17 : i32
    %dma_start3A_268 = arith.constant 0 : i32
    %dma_start3A_269 = tpu.memref_slice %arg3[%dma_start3A_267, %dma_start3A_268] : memref<32x128xf32, #tpu.memory_space<hbm>> -> memref<1x128xf32, #tpu.memory_space<hbm>>
    %dma_start3A_270 = tpu.memref_squeeze %dma_start3A_269 : memref<1x128xf32, #tpu.memory_space<hbm>> -> memref<128xf32, #tpu.memory_space<hbm>>
    %dma_start3A_271 = arith.constant 0 : i32
    %dma_start3A_272 = tpu.memref_slice %arg2[%get3A_266, %dma_start3A_271] : memref<32x128xf32, #tpu.memory_space<hbm>> -> memref<1x128xf32, #tpu.memory_space<hbm>>
    %dma_start3A_273 = tpu.memref_squeeze %dma_start3A_272 : memref<1x128xf32, #tpu.memory_space<hbm>> -> memref<128xf32, #tpu.memory_space<hbm>>
    tpu.enqueue_dma source(%dma_start3A_273 : memref<128xf32, #tpu.memory_space<hbm>>) target(%dma_start3A_270 : memref<128xf32, #tpu.memory_space<hbm>>) target_semaphore(%arg5 : memref<!tpu.dma_semaphore, #tpu.memory_space<semaphore_mem>>)
    %get3A_274 = arith.constant 18 : i32
    %get3A_275 = arith.index_cast %get3A_274 : i32 to index
    %get3A_276 = memref.load %arg4[%get3A_275] : memref<20xi32, #tpu.memory_space<smem>>
    %dma_start3A_277 = arith.constant 18 : i32
    %dma_start3A_278 = arith.constant 0 : i32
    %dma_start3A_279 = tpu.memref_slice %arg3[%dma_start3A_277, %dma_start3A_278] : memref<32x128xf32, #tpu.memory_space<hbm>> -> memref<1x128xf32, #tpu.memory_space<hbm>>
    %dma_start3A_280 = tpu.memref_squeeze %dma_start3A_279 : memref<1x128xf32, #tpu.memory_space<hbm>> -> memref<128xf32, #tpu.memory_space<hbm>>
    %dma_start3A_281 = arith.constant 0 : i32
    %dma_start3A_282 = tpu.memref_slice %arg2[%get3A_276, %dma_start3A_281] : memref<32x128xf32, #tpu.memory_space<hbm>> -> memref<1x128xf32, #tpu.memory_space<hbm>>
    %dma_start3A_283 = tpu.memref_squeeze %dma_start3A_282 : memref<1x128xf32, #tpu.memory_space<hbm>> -> memref<128xf32, #tpu.memory_space<hbm>>
    tpu.enqueue_dma source(%dma_start3A_283 : memref<128xf32, #tpu.memory_space<hbm>>) target(%dma_start3A_280 : memref<128xf32, #tpu.memory_space<hbm>>) target_semaphore(%arg5 : memref<!tpu.dma_semaphore, #tpu.memory_space<semaphore_mem>>)
    %get3A_284 = arith.constant 19 : i32
    %get3A_285 = arith.index_cast %get3A_284 : i32 to index
    %get3A_286 = memref.load %arg4[%get3A_285] : memref<20xi32, #tpu.memory_space<smem>>
    %dma_start3A_287 = arith.constant 19 : i32
    %dma_start3A_288 = arith.constant 0 : i32
    %dma_start3A_289 = tpu.memref_slice %arg3[%dma_start3A_287, %dma_start3A_288] : memref<32x128xf32, #tpu.memory_space<hbm>> -> memref<1x128xf32, #tpu.memory_space<hbm>>
    %dma_start3A_290 = tpu.memref_squeeze %dma_start3A_289 : memref<1x128xf32, #tpu.memory_space<hbm>> -> memref<128xf32, #tpu.memory_space<hbm>>
    %dma_start3A_291 = arith.constant 0 : i32
    %dma_start3A_292 = tpu.memref_slice %arg2[%get3A_286, %dma_start3A_291] : memref<32x128xf32, #tpu.memory_space<hbm>> -> memref<1x128xf32, #tpu.memory_space<hbm>>
    %dma_start3A_293 = tpu.memref_squeeze %dma_start3A_292 : memref<1x128xf32, #tpu.memory_space<hbm>> -> memref<128xf32, #tpu.memory_space<hbm>>
    tpu.enqueue_dma source(%dma_start3A_293 : memref<128xf32, #tpu.memory_space<hbm>>) target(%dma_start3A_290 : memref<128xf32, #tpu.memory_space<hbm>>) target_semaphore(%arg5 : memref<!tpu.dma_semaphore, #tpu.memory_space<semaphore_mem>>)
    tpu.wait_dma2 semaphore(%arg5 : memref<!tpu.dma_semaphore, #tpu.memory_space<semaphore_mem>>) src(%arg2 : memref<32x128xf32, #tpu.memory_space<hbm>>) dst(%arg3 : memref<32x128xf32, #tpu.memory_space<hbm>>)
    return
  }
}

</mosaic_0001>

<sc_bundles>
// kernel: kernel.3.cloned.1.call-start
scs
__scs_entry_jumppad:
0x0: {  	(pc) =	sbr.rel $0x88, $3  }
0x1: {  	(tag) =	ssettag $0x0;
	lr =	simm.s32 $0x1  }
0x2: {  	[smem:$0x3F9F] =	sst lr;
	_ =	strace $0xD0000000  }
0x3: {  	_ = 	snop  }
0x4: {  	_ = 	snop  }
0x5: {  	_ = 	snop  }
0x6: {  	_ = 	snop  }
0x7: {  	_ = 	snop  }
__scs_overlays_trampoline_lowered:
0x8: {  	[smem:$0x3FAE] =	sst s0  }
0x9: {  	[smem:$0x3FAF] =	sst s1  }
0xa: {  	[smem:$0x3FB0] =	sst s2  }
0xb: {  	[smem:$0x3FB1] =	sst s3  }
0xc: {  	[smem:$0x3FB2] =	sst s4  }
0xd: {  	[smem:$0x3FB3] =	sst s5  }
0xe: {  	[smem:$0x3FB4] =	sst s6  }
0xf: {  	[smem:$0x3FB5] =	sst s7  }
0x10: {  	[smem:$0x3FB6] =	sst s8  }
0x11: {  	[smem:$0x3FB7] =	sst s9;
	s0 =	simm.s32 @!p0 $0x0  }
0x12: {  	s1 =	sld [smem:$0x3F9D];
	s0 =	simm.s32 @p0 $0x1  }
0x13: {  	[smem:$0x3FB8] =	sst s0;
	s0 =	simm.s32 @!p1 $0x0  }
0x14: {  	s2 =	sld [smem:$0x3F9C];
	s0 =	simm.s32 @p1 $0x1  }
0x15: {  	[smem:$0x3FB9] =	sst s0;
	s0 =	simm.s32 @!p2 $0x0  }
0x16: {  	s3 =	sld [smem:$0x3FDB];
	s0 =	simm.s32 @p2 $0x1  }
0x17: {  	s4 =	simm.s32 $0x1BF5;
	[smem:$0x3FBB] =	sst s0  }
0x18: {  	s0 =	sld [smem:$0x3F9E];
	_ =	swait.ge [sflag:s4], $0x0  }
0x19: {  	s7 =	sld [smem:$0x3F9F]  }
0x1a: {  	s8 =	sadd.s32 $0xFFFFE003, lr  }
0x1b: {  	s9 =	sadd.s32 $0xFFFFFEF7, lr;
	s5 =	simm.s32 $0xFFFFFFFF;
	p2 =	slt.u32 s8, $0xFFFFF086  }
0x1c: {  	p1 =	slt.u32 s9, $0xF7A;
	s5 =	simm.s32 @!p2 $0x0  }
0x1d: {  	s5 =	simm.s32 @p1 $0x1;
	p0 =	seq.s32 s7, s2  }
0x1e: {  	s7 =	smul.u32 @!p0 $0xF7A, s2;
	p2 =	seq.s32 @!p0 s5, $0x0  }
0x1f: {  	s9 =	smul.u32 $0xF7A, s1;
	s8 =	simm.s32 @!p0 $0x1BF5;
	p2 =	por !p2, p0  }
0x20: {  	[sflag:s8] =	ssyncset.s32 @!p0 $0xFFFFF086;
	s6 =	sadd.s32 @!p0 s3, s7;
	s7 =	simm.s32 @!p0 $0x108  }
0x21: {  	s3 =	sadd.s32 s3, s9;
	s6 =	sadd.s32 @!p0 $0x88, s6;
	s7 =	simm.s32 @p2 $0x1082  }
0x22: {  	[simem:s7], [sflag:s8] =	dma.local @!p0 [hbm:s6], $0xF7A  }
0x23: {  	s9 =	sor.u32 $0xD0000000, s2;
	s6 =	simm.s32 $0x108;
	_ =	swait.ge @!p0 [sflag:s8], $0x0  }
0x24: {  	s3 =	sadd.s32 $0x88, s3;
	s6 =	simm.s32 @!p1 $0x1082;
	[sflag:s4] =	ssyncset.s32 $0xFFFFF086  }
0x25: {  	[simem:s6], [sflag:s4] =	dma.local [hbm:s3], $0xF7A  }
0x26: {  	[smem:$0x3F9F] =	sst s1;
	(tag) =	ssettag s2;
	_ =	strace s9  }
0x27: {  	s1 =	sld [smem:$0x3FAF]  }
0x28: {  	s2 =	sld [smem:$0x3FB0]  }
0x29: {  	s4 =	sld [smem:$0x3FB2]  }
0x2a: {  	p0 =	seq.s32 s5, $0x0;
	s5 =	sld [smem:$0x3FB3]  }
0x2b: {  	s6 =	sld [smem:$0x3FB4]  }
0x2c: {  	s7 =	sld [smem:$0x3FB5]  }
0x2d: {  	s3 =	simm.s32 $0x108;
	s8 =	sld [smem:$0x3FB6]  }
0x2e: {  	s3 =	simm.s32 @!p0 $0x1082;
	s9 =	sld [smem:$0x3FB7]  }
0x2f: {  	lr =	sadd.s32 s0, s3;
	s0 =	sld [smem:$0x3FAE]  }
0x30: {  	s3 =	sld [smem:$0x3FB1]  }
0x31: {  	[smem:$0x3FBA] =	sst s10  }
0x32: {  	s10 =	sld [smem:$0x3FB8];
	_ =	sdelay $0x3  }
0x33: {  	p0 =	seq.s32 s10, $0x1;
	s10 =	sld [smem:$0x3FBA];
	_ =	sdelay $0x3  }
0x34: {  	[smem:$0x3FBA] =	sst s10  }
0x35: {  	s10 =	sld [smem:$0x3FB9];
	_ =	sdelay $0x3  }
0x36: {  	p1 =	seq.s32 s10, $0x1;
	s10 =	sld [smem:$0x3FBA];
	_ =	sdelay $0x3  }
0x37: {  	[smem:$0x3FBA] =	sst s10  }
0x38: {  	s10 =	sld [smem:$0x3FBB]  }
0x39: {  	_ = 	snop;
	(pc) =	sbr.ind lr, $3  }
0x3a: {  	_ = 	snop  }
0x3b: {  	_ = 	snop  }
0x3c: {  	p2 =	seq.s32 s10, $0x1;
	s10 =	sld [smem:$0x3FBA]  }
0x3d: {  	_ =	shalt  }
0x3e: {  	_ =	shalt  }
0x3f: {  	_ =	shalt  }
0x40: {  	_ =	shalt  }
0x41: {  	_ =	shalt  }
0x42: {  	_ =	shalt  }
0x43: {  	_ =	shalt  }
0x44: {  	_ =	shalt  }
0x45: {  	_ =	shalt  }
0x46: {  	_ =	shalt  }
0x47: {  	_ =	shalt  }
0x48: {  	_ =	shalt  }
0x49: {  	_ =	shalt  }
0x4a: {  	_ =	shalt  }
0x4b: {  	_ =	shalt  }
0x4c: {  	_ =	shalt  }
0x4d: {  	_ =	shalt  }
0x4e: {  	_ =	shalt  }
0x4f: {  	_ =	shalt  }
0x50: {  	_ =	shalt  }
0x51: {  	_ =	shalt  }
0x52: {  	_ =	shalt  }
0x53: {  	_ =	shalt  }
0x54: {  	_ =	shalt  }
0x55: {  	_ =	shalt  }
0x56: {  	_ =	shalt  }
0x57: {  	_ =	shalt  }
0x58: {  	_ =	shalt  }
0x59: {  	_ =	shalt  }
0x5a: {  	_ =	shalt  }
0x5b: {  	_ =	shalt  }
0x5c: {  	_ =	shalt  }
0x5d: {  	_ =	shalt  }
0x5e: {  	_ =	shalt  }
0x5f: {  	_ =	shalt  }
0x60: {  	_ =	shalt  }
0x61: {  	_ =	shalt  }
0x62: {  	_ =	shalt  }
0x63: {  	_ =	shalt  }
0x64: {  	_ =	shalt  }
0x65: {  	_ =	shalt  }
0x66: {  	_ =	shalt  }
0x67: {  	_ =	shalt  }
0x68: {  	_ =	shalt  }
0x69: {  	_ =	shalt  }
0x6a: {  	_ =	shalt  }
0x6b: {  	_ =	shalt  }
0x6c: {  	_ =	shalt  }
0x6d: {  	_ =	shalt  }
0x6e: {  	_ =	shalt  }
0x6f: {  	_ =	shalt  }
0x70: {  	_ =	shalt  }
0x71: {  	_ =	shalt  }
0x72: {  	_ =	shalt  }
0x73: {  	_ =	shalt  }
0x74: {  	_ =	shalt  }
0x75: {  	_ =	shalt  }
0x76: {  	_ =	shalt  }
0x77: {  	_ =	shalt  }
0x78: {  	_ =	shalt  }
0x79: {  	_ =	shalt  }
0x7a: {  	_ =	shalt  }
0x7b: {  	_ =	shalt  }
0x7c: {  	_ =	shalt  }
0x7d: {  	_ =	shalt  }
0x7e: {  	_ =	shalt  }
0x7f: {  	_ =	shalt  }
0x80: {  	_ =	shalt  }
0x81: {  	_ =	shalt  }
0x82: {  	_ =	shalt  }
0x83: {  	_ =	shalt  }
0x84: {  	_ =	shalt  }
0x85: {  	_ =	shalt  }
0x86: {  	_ =	shalt  }
0x87: {  	_ =	shalt  }
.Lfunc_end0:
.L_simem_size_0:
called_computation_lowered:
.L_overlay_start_0:
0x88: {  	s0 =	sld [smem:$0x3FD9]  }
0x89: {  	s1 =	sld [smem:$0x3FFE];
	_ =	sdelay $0x3  }
0x8a: {  	s0 =	sadd.s32 s1, s0  }
0x8b: {  	s3 =	simm.s32 $0x0;
	[smem:$0x3FC6] =	sst s0  }
0x8c: {  	[smem:$0xF] =	sst s3  }
0x8d: {  	s2 =	sld [smem:$0x3FC9]  }
0x8e: {  	s0 =	sld [smem:$0x3FC8]  }
0x8f: {  	s1 =	sld [smem:$0x3FD0];
	(tm) =	ssettm $0x1  }
0x90: {  	s19 =	sld [smem:$0x3FFB];
	_ =	sdelay $0x3  }
0x91: {  	_ =	strace s19  }
0x92: {  	s3 =	sld [smem:$0x3FFC];
	_ =	sdelay $0x3  }
0x93: {  	_ =	strace s3  }
0x94: {  	s3 =	sld [smem:$0x3FFD];
	_ =	sdelay $0x3  }
0x95: {  	s20 =	simm.s32 $0x1B8B;
	s21 =	simm.s32 $0x1B8E;
	_ =	strace s3  }
0x96: {  	s22 =	simm.s32 $0xA;
	s4 =	simm.s32 $0x10;
	_ =	strace $0x8FFFFFFF  }
0x97: {  	s23 =	sadd.s32 $0x140, s1;
	s24 =	sadd.s32 $0x150, s1;
	_ =	swait.ge [sflag:s20], $0x1  }
0x98: {  	s25 =	sadd.s32 $0x160, s1;
	s26 =	sadd.s32 $0x170, s1;
	[sflag:s20] =	ssyncset.done $0x0  }
0x99: {  	s28 =	sadd.s32 $0x180, s1;
	s29 =	sadd.s32 $0x190, s1;
	[sflag:s20] =	ssyncadd.s32 $0xFFFFFFFF  }
0x9a: {  	s30 =	sadd.s32 $0x1A0, s1;
	s31 =	sadd.s32 $0x1B0, s1;
	[smem:$0x3FD2] =	sst s21  }
0x9b: {  	s5 =	sadd.s32 $0x1C0, s1;
	s6 =	sadd.s32 $0x1D0, s1;
	_ =	strace $0x80000046  }
0x9c: {  	[smem:s4], [sflag:s22] =	dma.local [hbm:s2], $0x10  }
0x9d: {  	s7 =	sadd.s32 $0x1E0, s1;
	s8 =	sadd.s32 $0x1F0, s1;
	s2 =	simm.s32 $0x9  }
0x9e: {  	[hbm:s23], [sflag:s2] =	dma.local [hbm:s0], $0x10  }
0x9f: {  	[hbm:s24], [sflag:s2] =	dma.local [hbm:s0], $0x10  }
0xa0: {  	[hbm:s25], [sflag:s2] =	dma.local [hbm:s0], $0x10  }
0xa1: {  	[hbm:s26], [sflag:s2] =	dma.local [hbm:s0], $0x10  }
0xa2: {  	[hbm:s28], [sflag:s2] =	dma.local [hbm:s0], $0x10  }
0xa3: {  	[hbm:s29], [sflag:s2] =	dma.local [hbm:s0], $0x10  }
0xa4: {  	[hbm:s30], [sflag:s2] =	dma.local [hbm:s0], $0x10  }
0xa5: {  	[hbm:s31], [sflag:s2] =	dma.local [hbm:s0], $0x10  }
0xa6: {  	[hbm:s5], [sflag:s2] =	dma.local [hbm:s0], $0x10  }
0xa7: {  	[hbm:s6], [sflag:s2] =	dma.local [hbm:s0], $0x10  }
0xa8: {  	[hbm:s7], [sflag:s2] =	dma.local [hbm:s0], $0x10  }
0xa9: {  	[hbm:s8], [sflag:s2] =	dma.local [hbm:s0], $0x10  }
0xaa: {  	_ =	swait.ge [sflag:s22], $0x10  }
0xab: {  	[sflag:s22] =	ssyncset.done $0x0  }
0xac: {  	[sflag:s22] =	ssyncadd.s32 $0xFFFFFFF0  }
0xad: {  	s3 =	sld [smem:$0x10];
	_ =	sdelay $0x3  }
0xae: {  	s3 =	sshll.u32 s3, $0x4  }
0xaf: {  	s3 =	sand.u32 $0x1FFFFFF0, s3  }
0xb0: {  	s3 =	sadd.s32 s0, s3  }
0xb1: {  	[hbm:s1], [sflag:s2] =	dma.local [hbm:s3], $0x10  }
0xb2: {  	s3 =	sld [smem:$0x11];
	_ =	sdelay $0x3  }
0xb3: {  	s3 =	sshll.u32 s3, $0x4  }
0xb4: {  	s3 =	sand.u32 $0x1FFFFFF0, s3  }
0xb5: {  	s9 =	sadd.s32 $0x10, s1;
	s3 =	sadd.s32 s0, s3  }
0xb6: {  	[hbm:s9], [sflag:s2] =	dma.local [hbm:s3], $0x10  }
0xb7: {  	s3 =	sld [smem:$0x12];
	_ =	sdelay $0x3  }
0xb8: {  	s3 =	sshll.u32 s3, $0x4  }
0xb9: {  	s3 =	sand.u32 $0x1FFFFFF0, s3  }
0xba: {  	s10 =	sadd.s32 $0x20, s1;
	s3 =	sadd.s32 s0, s3  }
0xbb: {  	[hbm:s10], [sflag:s2] =	dma.local [hbm:s3], $0x10  }
0xbc: {  	s3 =	sld [smem:$0x13];
	_ =	sdelay $0x3  }
0xbd: {  	s3 =	sshll.u32 s3, $0x4  }
0xbe: {  	s3 =	sand.u32 $0x1FFFFFF0, s3  }
0xbf: {  	s11 =	sadd.s32 $0x30, s1;
	s3 =	sadd.s32 s0, s3  }
0xc0: {  	[hbm:s11], [sflag:s2] =	dma.local [hbm:s3], $0x10  }
0xc1: {  	s3 =	sld [smem:$0x14];
	_ =	sdelay $0x3  }
0xc2: {  	s3 =	sshll.u32 s3, $0x4  }
0xc3: {  	s3 =	sand.u32 $0x1FFFFFF0, s3  }
0xc4: {  	s12 =	sadd.s32 $0x40, s1;
	s3 =	sadd.s32 s0, s3  }
0xc5: {  	[hbm:s12], [sflag:s2] =	dma.local [hbm:s3], $0x10  }
0xc6: {  	s3 =	sld [smem:$0x15];
	_ =	sdelay $0x3  }
0xc7: {  	s3 =	sshll.u32 s3, $0x4  }
0xc8: {  	s3 =	sand.u32 $0x1FFFFFF0, s3  }
0xc9: {  	s13 =	sadd.s32 $0x50, s1;
	s3 =	sadd.s32 s0, s3  }
0xca: {  	[hbm:s13], [sflag:s2] =	dma.local [hbm:s3], $0x10  }
0xcb: {  	s3 =	sld [smem:$0x16];
	_ =	sdelay $0x3  }
0xcc: {  	s3 =	sshll.u32 s3, $0x4  }
0xcd: {  	s3 =	sand.u32 $0x1FFFFFF0, s3  }
0xce: {  	s14 =	sadd.s32 $0x60, s1;
	s3 =	sadd.s32 s0, s3  }
0xcf: {  	[hbm:s14], [sflag:s2] =	dma.local [hbm:s3], $0x10  }
0xd0: {  	s3 =	sld [smem:$0x17];
	_ =	sdelay $0x3  }
0xd1: {  	s3 =	sshll.u32 s3, $0x4  }
0xd2: {  	s3 =	sand.u32 $0x1FFFFFF0, s3  }
0xd3: {  	s15 =	sadd.s32 $0x70, s1;
	s3 =	sadd.s32 s0, s3  }
0xd4: {  	[hbm:s15], [sflag:s2] =	dma.local [hbm:s3], $0x10  }
0xd5: {  	s3 =	sld [smem:$0x18];
	_ =	sdelay $0x3  }
0xd6: {  	s3 =	sshll.u32 s3, $0x4  }
0xd7: {  	s3 =	sand.u32 $0x1FFFFFF0, s3  }
0xd8: {  	s16 =	sadd.s32 $0x80, s1;
	s3 =	sadd.s32 s0, s3  }
0xd9: {  	[hbm:s16], [sflag:s2] =	dma.local [hbm:s3], $0x10  }
0xda: {  	s3 =	sld [smem:$0x19];
	_ =	sdelay $0x3  }
0xdb: {  	s3 =	sshll.u32 s3, $0x4  }
0xdc: {  	s3 =	sand.u32 $0x1FFFFFF0, s3  }
0xdd: {  	s17 =	sadd.s32 $0x90, s1;
	s3 =	sadd.s32 s0, s3  }
0xde: {  	[hbm:s17], [sflag:s2] =	dma.local [hbm:s3], $0x10  }
0xdf: {  	s3 =	sld [smem:$0x1A];
	_ =	sdelay $0x3  }
0xe0: {  	s3 =	sshll.u32 s3, $0x4  }
0xe1: {  	s3 =	sand.u32 $0x1FFFFFF0, s3  }
0xe2: {  	s18 =	sadd.s32 $0xA0, s1;
	s3 =	sadd.s32 s0, s3  }
0xe3: {  	[hbm:s18], [sflag:s2] =	dma.local [hbm:s3], $0x10  }
0xe4: {  	s3 =	sld [smem:$0x1B];
	_ =	sdelay $0x3  }
0xe5: {  	s3 =	sshll.u32 s3, $0x4  }
0xe6: {  	s3 =	sand.u32 $0x1FFFFFF0, s3  }
0xe7: {  	s19 =	sadd.s32 $0xB0, s1;
	s3 =	sadd.s32 s0, s3  }
0xe8: {  	[hbm:s19], [sflag:s2] =	dma.local [hbm:s3], $0x10  }
0xe9: {  	s3 =	sld [smem:$0x1C];
	_ =	sdelay $0x3  }
0xea: {  	s3 =	sshll.u32 s3, $0x4  }
0xeb: {  	s3 =	sand.u32 $0x1FFFFFF0, s3  }
0xec: {  	s20 =	sadd.s32 $0xC0, s1;
	s3 =	sadd.s32 s0, s3  }
0xed: {  	[hbm:s20], [sflag:s2] =	dma.local [hbm:s3], $0x10  }
0xee: {  	s3 =	sld [smem:$0x1D];
	_ =	sdelay $0x3  }
0xef: {  	s3 =	sshll.u32 s3, $0x4  }
0xf0: {  	s3 =	sand.u32 $0x1FFFFFF0, s3  }
0xf1: {  	s21 =	sadd.s32 $0xD0, s1;
	s3 =	sadd.s32 s0, s3  }
0xf2: {  	[hbm:s21], [sflag:s2] =	dma.local [hbm:s3], $0x10  }
0xf3: {  	s3 =	sld [smem:$0x1E];
	_ =	sdelay $0x3  }
0xf4: {  	s3 =	sshll.u32 s3, $0x4  }
0xf5: {  	s3 =	sand.u32 $0x1FFFFFF0, s3  }
0xf6: {  	s22 =	sadd.s32 $0xE0, s1;
	s3 =	sadd.s32 s0, s3  }
0xf7: {  	[hbm:s22], [sflag:s2] =	dma.local [hbm:s3], $0x10  }
0xf8: {  	s3 =	sld [smem:$0x1F];
	_ =	sdelay $0x3  }
0xf9: {  	s3 =	sshll.u32 s3, $0x4  }
0xfa: {  	s3 =	sand.u32 $0x1FFFFFF0, s3  }
0xfb: {  	s23 =	sadd.s32 $0xF0, s1;
	s3 =	sadd.s32 s0, s3  }
0xfc: {  	[hbm:s23], [sflag:s2] =	dma.local [hbm:s3], $0x10  }
0xfd: {  	s3 =	sld [smem:$0x20];
	_ =	sdelay $0x3  }
0xfe: {  	s3 =	sshll.u32 s3, $0x4  }
0xff: {  	s3 =	sand.u32 $0x1FFFFFF0, s3  }
0x100: {  	s24 =	sadd.s32 $0x100, s1;
	s3 =	sadd.s32 s0, s3  }
0x101: {  	[hbm:s24], [sflag:s2] =	dma.local [hbm:s3], $0x10  }
0x102: {  	s3 =	sld [smem:$0x21];
	_ =	sdelay $0x3  }
0x103: {  	s3 =	sshll.u32 s3, $0x4  }
0x104: {  	s3 =	sand.u32 $0x1FFFFFF0, s3  }
0x105: {  	s25 =	sadd.s32 $0x110, s1;
	s3 =	sadd.s32 s0, s3  }
0x106: {  	[hbm:s25], [sflag:s2] =	dma.local [hbm:s3], $0x10  }
0x107: {  	s3 =	sld [smem:$0x22];
	_ =	sdelay $0x3  }
0x108: {  	s3 =	sshll.u32 s3, $0x4  }
0x109: {  	s3 =	sand.u32 $0x1FFFFFF0, s3  }
0x10a: {  	s26 =	sadd.s32 $0x120, s1;
	s3 =	sadd.s32 s0, s3  }
0x10b: {  	[hbm:s26], [sflag:s2] =	dma.local [hbm:s3], $0x10  }
0x10c: {  	s3 =	sld [smem:$0x23];
	_ =	sdelay $0x3  }
0x10d: {  	s3 =	sshll.u32 s3, $0x4  }
0x10e: {  	s3 =	sand.u32 $0x1FFFFFF0, s3  }
0x10f: {  	s1 =	sadd.s32 $0x130, s1;
	s0 =	sadd.s32 s0, s3  }
0x110: {  	[hbm:s1], [sflag:s2] =	dma.local [hbm:s0], $0x10  }
0x111: {  	_ =	swait.ge [sflag:s2], $0x200  }
0x112: {  	[sflag:s2] =	ssyncset.done $0x0  }
0x113: {  	[sflag:s2] =	ssyncadd.s32 $0xFFFFFE00  }
0x114: {  	_ =	strace $0x90000046  }
0x115: {  	_ =	sfence  }
0x116: {  	s28 =	sld [smem:$0x0];
	_ =	sdelay $0x1  }
0x117: {  	s29 =	srdreg.scid  }
0x118: {  	s30 =	sshll.u32 s29, $0xD;
	s31 =	sshrl.u32 s29, $0x2  }
0x119: {  	s1 =	sand.u32 $0x1, s29;
	s2 =	sand.u32 $0x4000, s30;
	s0 =	sadd.s32 s31, s28  }
0x11a: {  	s1 =	sor.u32 s2, s1;
	s0 =	sshll.u32 s0, $0x11  }
0x11b: {  	s0 =	sor.u32 s0, s1  }
0x11c: {  	s0 =	sadd.s32 $0x8F2B, s0;
	(pc) =	sbr.abs _section_cstart, $3  }
0x11d: {  	[sflag:s0] =	ssyncadd.remote.s32 $0x1  }
0x11e: {  	_ =	strace $0x9FFFFFFF  }
0x11f: {  	(tm) =	ssettm $0x7FFFFFFF  }

</sc_bundles>
